<compile_context>
chip_gen: v7x
topology: tpu7x:2x2x1
jax: 0.10.2.dev20260603
libtpu: 0.0.44.dev20260713+nightly
codegen_flags: <defaults>
</compile_context>

<pallas_src>
import functools

import jax
import jax.numpy as jnp
from jax.experimental import pallas as pl

_ANCHORS_W = (116.0, 156.0, 373.0)
_ANCHORS_H = (90.0, 198.0, 326.0)
_G = 76
_NS = _G * _G
_C = 255
_STRIDE = 8.0


def _decode_body(x_ref, o_ref, *, tile_s):
    s = pl.program_id(1)
    xb = x_ref[0]

    sg = jax.nn.sigmoid(xb)
    ex = jnp.exp(xb)

    ch = jax.lax.broadcasted_iota(jnp.int32, (_C, tile_s), 0)
    k = ch % 85
    aw = jnp.where(ch < 85, _ANCHORS_W[0],
                   jnp.where(ch < 170, _ANCHORS_W[1], _ANCHORS_W[2]))
    ah = jnp.where(ch < 85, _ANCHORS_H[0],
                   jnp.where(ch < 170, _ANCHORS_H[1], _ANCHORS_H[2]))
    anch = jnp.where(k == 2, aw, ah).astype(xb.dtype)

    g = s * tile_s + jax.lax.broadcasted_iota(jnp.int32, (_C, tile_s), 1)
    gx = (g % _G).astype(xb.dtype)
    gy = (g // _G).astype(xb.dtype)
    off = jnp.where(k == 0, gx, gy)

    val = jnp.where(k < 2, (sg + off) * _STRIDE,
                    jnp.where(k < 4, ex * anch, sg))
    o_ref[0] = val.T


@jax.jit
def kernel(x):
    b = x.shape[0]
    xr = x.reshape(b, _C, _NS)
    tile_s = 512
    n_tiles = pl.cdiv(_NS, tile_s)
    out = pl.pallas_call(
        functools.partial(_decode_body, tile_s=tile_s),
        grid=(b, n_tiles),
        in_specs=[pl.BlockSpec((1, _C, tile_s), lambda i, j: (i, 0, j))],
        out_specs=pl.BlockSpec((1, tile_s, _C), lambda i, j: (i, j, 0)),
        out_shape=jax.ShapeDtypeStruct((b, _NS, _C), x.dtype),
    )(xr)
    return out.reshape(b, _NS * 3, 85)

# --- scband reference (transcript-rebuilt; emitter-appended) ---
"""Pipeline reference for scband-detection-layer-34376918237294 (READ-ONLY COPY).

The authoritative reference and input builder live on the scoring server;
editing this copy changes nothing except your own understanding.
"""

import jax, jax.numpy as jnp
import numpy as np

ANCHORS = [(116.0, 90.0), (156.0, 198.0), (373.0, 326.0)]
INP_DIM = 608
NUM_CLASSES = 80


def flatten_predict(x, inp_dim, anchors, num_classes):
    # Faithful JAX port of YOLO predict_transform (flattenPredict)
    batch = x.shape[0]
    stride = inp_dim // x.shape[2]
    grid_size = inp_dim // stride
    bbox_attrs = 5 + num_classes
    num_anchors = len(anchors)

    pred = x.reshape(batch, bbox_attrs * num_anchors, grid_size * grid_size)
    pred = jnp.transpose(pred, (0, 2, 1))
    pred = pred.reshape(batch, grid_size * grid_size * num_anchors, bbox_attrs)

    scaled_anchors = jnp.array([(a[0] / stride, a[1] / stride) for a in anchors], dtype=x.dtype)

    # sigmoid center offsets and objectness
    xy = jax.nn.sigmoid(pred[..., 0:2])
    conf = jax.nn.sigmoid(pred[..., 4:5])

    # add grid cell offsets
    grid = np.arange(grid_size)
    a, b = np.meshgrid(grid, grid)
    x_off = a.reshape(-1, 1).astype(np.float32)
    y_off = b.reshape(-1, 1).astype(np.float32)
    xy_off = np.concatenate((x_off, y_off), 1)
    xy_off = np.tile(xy_off, (1, num_anchors)).reshape(-1, 2)[None, :, :]
    xy = xy + jnp.asarray(xy_off, dtype=x.dtype)

    # exp-scale width/height by anchors
    anch = jnp.tile(scaled_anchors, (grid_size * grid_size, 1))[None, :, :]
    wh = jnp.exp(pred[..., 2:4]) * anch

    # sigmoid class scores
    cls = jax.nn.sigmoid(pred[..., 5:5 + num_classes])

    # rescale boxes to input-image coordinates
    box = jnp.concatenate([xy, wh], axis=-1) * float(stride)
    out = jnp.concatenate([box, conf, cls], axis=-1)
    return out


def setup_inputs(seed: int = 0) -> dict:
    key = jax.random.key(seed)
    x = jax.random.normal(key, (16, 255, 76, 76), dtype=jnp.float32)
    return {"x": x}


def reference(x):
    return flatten_predict(x, INP_DIM, ANCHORS, NUM_CLASSES)

if __name__ == "__main__":
    import jax
    _d = setup_inputs()
    print(jax.jit(kernel)(*tuple(_d.values())))

</pallas_src>

<mosaic_0001>
module attributes {stable_mosaic.version = 14 : i64} {
  func.func @_decode_body(%arg0: i32, %arg1: i32, %arg2: memref<1x255x512xf32, #tpu.memory_space<vmem>>, %arg3: memref<1x512x255xf32, #tpu.memory_space<vmem>>) attributes {dimension_semantics = [#tpu.dimension_semantics<arbitrary>, #tpu.dimension_semantics<arbitrary>], iteration_bounds = array<i64: 16, 12>, scalar_prefetch = 0 : i64, scratch_operands = 0 : i64, tpu.core_type = #tpu.core_type<tc>, window_params = [{transform_indices = @transform_0, window_bounds = array<i64: 1, 255, 512>}, {transform_indices = @transform_1, window_bounds = array<i64: 1, 512, 255>}]} {
    %get3A = arith.constant 0 : index
    %get3A_0 = arith.constant 0 : index
    %get3A_1 = arith.constant 0 : index
    %get3A_2 = vector.load %arg2[%get3A, %get3A_0, %get3A_1] : memref<1x255x512xf32, #tpu.memory_space<vmem>>, vector<1x255x512xf32>
    %get3A_3 = vector.shape_cast %get3A_2 : vector<1x255x512xf32> to vector<255x512xf32>
    %logistic3A = arith.negf %get3A_3 : vector<255x512xf32>
    %logistic3A_4 = math.exp %logistic3A : vector<255x512xf32>
    %logistic3A_5 = arith.constant 1.000000e+00 : f32
    %logistic3A_6 = vector.broadcast %logistic3A_5 : f32 to vector<255x512xf32>
    %logistic3A_7 = arith.addf %logistic3A_6, %logistic3A_4 : vector<255x512xf32>
    %logistic3A_8 = arith.divf %logistic3A_6, %logistic3A_7 : vector<255x512xf32>
    %exp3A = math.exp %get3A_3 : vector<255x512xf32>
    %iota3A = tpu.iota {dimensions = array<i32: 0>} : vector<255x512xi32>
    %jit3A = arith.constant 85 : i32
    %eq3A = arith.constant 0 : i32
    %eq3A_9 = arith.cmpi eq, %jit3A, %eq3A : i32
    %jit3A_10 = arith.constant 1 : i32
    %select_n3A = arith.select %eq3A_9, %jit3A_10, %jit3A : i32
    %rem3A = vector.broadcast %select_n3A : i32 to vector<255x512xi32>
    %rem3A_11 = arith.remsi %iota3A, %rem3A : vector<255x512xi32>
    %ne3A = arith.constant 0 : i32
    %ne3A_12 = vector.broadcast %ne3A : i32 to vector<255x512xi32>
    %ne3A_13 = arith.cmpi ne, %rem3A_11, %ne3A_12 : vector<255x512xi32>
    %lt3A = arith.constant 0 : i32
    %lt3A_14 = vector.broadcast %lt3A : i32 to vector<255x512xi32>
    %lt3A_15 = arith.cmpi slt, %rem3A_11, %lt3A_14 : vector<255x512xi32>
    %lt3A_16 = arith.constant 0 : i32
    %lt3A_17 = arith.cmpi slt, %select_n3A, %lt3A_16 : i32
    %ne3A_18 = vector.broadcast %lt3A_17 : i1 to vector<255x512xi1>
    %ne3A_19 = vector.broadcast %ne3A_18 : vector<255x512xi1> to vector<255x512xi1>
    %ne3A_20 = arith.xori %lt3A_15, %ne3A_19 : vector<255x512xi1>
    %and3A = arith.andi %ne3A_20, %ne3A_13 : vector<255x512xi1>
    %add3A = vector.broadcast %select_n3A : i32 to vector<255x512xi32>
    %add3A_21 = arith.addi %rem3A_11, %add3A : vector<255x512xi32>
    %select_n3A_22 = arith.select %and3A, %add3A_21, %rem3A_11 : vector<255x512xi1>, vector<255x512xi32>
    %lt3A_23 = arith.constant 85 : i32
    %lt3A_24 = vector.broadcast %lt3A_23 : i32 to vector<255x512xi32>
    %lt3A_25 = arith.cmpi slt, %iota3A, %lt3A_24 : vector<255x512xi32>
    %lt3A_26 = arith.constant 170 : i32
    %lt3A_27 = vector.broadcast %lt3A_26 : i32 to vector<255x512xi32>
    %lt3A_28 = arith.cmpi slt, %iota3A, %lt3A_27 : vector<255x512xi32>
    %jit3A_29 = arith.constant 1.560000e+02 : f32
    %jit3A_30 = arith.constant 3.730000e+02 : f32
    %broadcast_in_dim3A = vector.broadcast %jit3A_29 : f32 to vector<255x512xf32>
    %broadcast_in_dim3A_31 = vector.broadcast %jit3A_30 : f32 to vector<255x512xf32>
    %select_n3A_32 = arith.select %lt3A_28, %broadcast_in_dim3A, %broadcast_in_dim3A_31 : vector<255x512xi1>, vector<255x512xf32>
    %jit3A_33 = arith.constant 1.160000e+02 : f32
    %broadcast_in_dim3A_34 = vector.broadcast %jit3A_33 : f32 to vector<255x512xf32>
    %select_n3A_35 = arith.select %lt3A_25, %broadcast_in_dim3A_34, %select_n3A_32 : vector<255x512xi1>, vector<255x512xf32>
    %lt3A_36 = arith.constant 85 : i32
    %lt3A_37 = vector.broadcast %lt3A_36 : i32 to vector<255x512xi32>
    %lt3A_38 = arith.cmpi slt, %iota3A, %lt3A_37 : vector<255x512xi32>
    %lt3A_39 = arith.constant 170 : i32
    %lt3A_40 = vector.broadcast %lt3A_39 : i32 to vector<255x512xi32>
    %lt3A_41 = arith.cmpi slt, %iota3A, %lt3A_40 : vector<255x512xi32>
    %jit3A_42 = arith.constant 1.980000e+02 : f32
    %jit3A_43 = arith.constant 3.260000e+02 : f32
    %broadcast_in_dim3A_44 = vector.broadcast %jit3A_42 : f32 to vector<255x512xf32>
    %broadcast_in_dim3A_45 = vector.broadcast %jit3A_43 : f32 to vector<255x512xf32>
    %select_n3A_46 = arith.select %lt3A_41, %broadcast_in_dim3A_44, %broadcast_in_dim3A_45 : vector<255x512xi1>, vector<255x512xf32>
    %jit3A_47 = arith.constant 9.000000e+01 : f32
    %broadcast_in_dim3A_48 = vector.broadcast %jit3A_47 : f32 to vector<255x512xf32>
    %select_n3A_49 = arith.select %lt3A_38, %broadcast_in_dim3A_48, %select_n3A_46 : vector<255x512xi1>, vector<255x512xf32>
    %eq3A_50 = arith.constant 2 : i32
    %eq3A_51 = vector.broadcast %eq3A_50 : i32 to vector<255x512xi32>
    %eq3A_52 = arith.cmpi eq, %select_n3A_22, %eq3A_51 : vector<255x512xi32>
    %select_n3A_53 = arith.select %eq3A_52, %select_n3A_35, %select_n3A_49 : vector<255x512xi1>, vector<255x512xf32>
    %mul3A = arith.constant 512 : i32
    %mul3A_54 = arith.muli %arg1, %mul3A : i32
    %iota3A_55 = tpu.iota {dimensions = array<i32: 1>} : vector<255x512xi32>
    %add3A_56 = vector.broadcast %mul3A_54 : i32 to vector<255x512xi32>
    %add3A_57 = arith.addi %add3A_56, %iota3A_55 : vector<255x512xi32>
    %jit3A_58 = arith.constant 76 : i32
    %eq3A_59 = arith.constant 0 : i32
    %eq3A_60 = arith.cmpi eq, %jit3A_58, %eq3A_59 : i32
    %jit3A_61 = arith.constant 1 : i32
    %select_n3A_62 = arith.select %eq3A_60, %jit3A_61, %jit3A_58 : i32
    %rem3A_63 = vector.broadcast %select_n3A_62 : i32 to vector<255x512xi32>
    %rem3A_64 = arith.remsi %add3A_57, %rem3A_63 : vector<255x512xi32>
    %ne3A_65 = arith.constant 0 : i32
    %ne3A_66 = vector.broadcast %ne3A_65 : i32 to vector<255x512xi32>
    %ne3A_67 = arith.cmpi ne, %rem3A_64, %ne3A_66 : vector<255x512xi32>
    %lt3A_68 = arith.constant 0 : i32
    %lt3A_69 = vector.broadcast %lt3A_68 : i32 to vector<255x512xi32>
    %lt3A_70 = arith.cmpi slt, %rem3A_64, %lt3A_69 : vector<255x512xi32>
    %lt3A_71 = arith.constant 0 : i32
    %lt3A_72 = arith.cmpi slt, %select_n3A_62, %lt3A_71 : i32
    %ne3A_73 = vector.broadcast %lt3A_72 : i1 to vector<255x512xi1>
    %ne3A_74 = vector.broadcast %ne3A_73 : vector<255x512xi1> to vector<255x512xi1>
    %ne3A_75 = arith.xori %lt3A_70, %ne3A_74 : vector<255x512xi1>
    %and3A_76 = arith.andi %ne3A_75, %ne3A_67 : vector<255x512xi1>
    %add3A_77 = vector.broadcast %select_n3A_62 : i32 to vector<255x512xi32>
    %add3A_78 = arith.addi %rem3A_64, %add3A_77 : vector<255x512xi32>
    %select_n3A_79 = arith.select %and3A_76, %add3A_78, %rem3A_64 : vector<255x512xi1>, vector<255x512xi32>
    %convert_element_type3A = arith.sitofp %select_n3A_79 : vector<255x512xi32> to vector<255x512xf32>
    %jit3A_80 = arith.constant 76 : i32
    %div3A = vector.broadcast %jit3A_80 : i32 to vector<255x512xi32>
    %div3A_81 = arith.divsi %add3A_57, %div3A : vector<255x512xi32>
    %sign3A = arith.constant 0 : i32
    %sign3A_82 = vector.broadcast %sign3A : i32 to vector<255x512xi32>
    %sign3A_83 = arith.cmpi sgt, %add3A_57, %sign3A_82 : vector<255x512xi32>
    %sign3A_84 = arith.extui %sign3A_83 : vector<255x512xi1> to vector<255x512xi32>
    %sign3A_85 = arith.constant 0 : i32
    %sign3A_86 = vector.broadcast %sign3A_85 : i32 to vector<255x512xi32>
    %sign3A_87 = arith.cmpi slt, %add3A_57, %sign3A_86 : vector<255x512xi32>
    %sign3A_88 = arith.extui %sign3A_87 : vector<255x512xi1> to vector<255x512xi32>
    %sign3A_89 = arith.subi %sign3A_84, %sign3A_88 : vector<255x512xi32>
    %sign3A_90 = arith.constant 0 : i32
    %sign3A_91 = arith.cmpi sgt, %jit3A_80, %sign3A_90 : i32
    %sign3A_92 = arith.extui %sign3A_91 : i1 to i32
    %sign3A_93 = arith.constant 0 : i32
    %sign3A_94 = arith.cmpi slt, %jit3A_80, %sign3A_93 : i32
    %sign3A_95 = arith.extui %sign3A_94 : i1 to i32
    %sign3A_96 = arith.subi %sign3A_92, %sign3A_95 : i32
    %ne3A_97 = vector.broadcast %sign3A_96 : i32 to vector<255x512xi32>
    %ne3A_98 = arith.cmpi ne, %sign3A_89, %ne3A_97 : vector<255x512xi32>
    %rem3A_99 = vector.broadcast %jit3A_80 : i32 to vector<255x512xi32>
    %rem3A_100 = arith.remsi %add3A_57, %rem3A_99 : vector<255x512xi32>
    %ne3A_101 = arith.constant 0 : i32
    %ne3A_102 = vector.broadcast %ne3A_101 : i32 to vector<255x512xi32>
    %ne3A_103 = arith.cmpi ne, %rem3A_100, %ne3A_102 : vector<255x512xi32>
    %and3A_104 = arith.andi %ne3A_98, %ne3A_103 : vector<255x512xi1>
    %sub3A = arith.constant 1 : i32
    %sub3A_105 = vector.broadcast %sub3A : i32 to vector<255x512xi32>
    %sub3A_106 = arith.subi %div3A_81, %sub3A_105 : vector<255x512xi32>
    %select_n3A_107 = arith.select %and3A_104, %sub3A_106, %div3A_81 : vector<255x512xi1>, vector<255x512xi32>
    %convert_element_type3A_108 = arith.sitofp %select_n3A_107 : vector<255x512xi32> to vector<255x512xf32>
    %eq3A_109 = arith.constant 0 : i32
    %eq3A_110 = vector.broadcast %eq3A_109 : i32 to vector<255x512xi32>
    %eq3A_111 = arith.cmpi eq, %select_n3A_22, %eq3A_110 : vector<255x512xi32>
    %select_n3A_112 = arith.select %eq3A_111, %convert_element_type3A, %convert_element_type3A_108 : vector<255x512xi1>, vector<255x512xf32>
    %lt3A_113 = arith.constant 2 : i32
    %lt3A_114 = vector.broadcast %lt3A_113 : i32 to vector<255x512xi32>
    %lt3A_115 = arith.cmpi slt, %select_n3A_22, %lt3A_114 : vector<255x512xi32>
    %add3A_116 = arith.addf %logistic3A_8, %select_n3A_112 : vector<255x512xf32>
    %mul3A_117 = arith.constant 8.000000e+00 : f32
    %mul3A_118 = vector.broadcast %mul3A_117 : f32 to vector<255x512xf32>
    %mul3A_119 = arith.mulf %add3A_116, %mul3A_118 : vector<255x512xf32>
    %lt3A_120 = arith.constant 4 : i32
    %lt3A_121 = vector.broadcast %lt3A_120 : i32 to vector<255x512xi32>
    %lt3A_122 = arith.cmpi slt, %select_n3A_22, %lt3A_121 : vector<255x512xi32>
    %mul3A_123 = arith.mulf %exp3A, %select_n3A_53 : vector<255x512xf32>
    %select_n3A_124 = arith.select %lt3A_122, %mul3A_123, %logistic3A_8 : vector<255x512xi1>, vector<255x512xf32>
    %select_n3A_125 = arith.select %lt3A_115, %mul3A_119, %select_n3A_124 : vector<255x512xi1>, vector<255x512xf32>
    %transpose3A = tpu.transpose %select_n3A_125, [1, 0] : vector<255x512xf32> -> vector<512x255xf32>
    %swap3A = arith.constant 0 : index
    %swap3A_126 = arith.constant 0 : index
    %swap3A_127 = arith.constant 0 : index
    %swap3A_128 = vector.load %arg3[%swap3A, %swap3A_126, %swap3A_127] : memref<1x512x255xf32, #tpu.memory_space<vmem>>, vector<1x512x255xf32>
    %swap3A_129 = vector.shape_cast %swap3A_128 : vector<1x512x255xf32> to vector<512x255xf32>
    %swap3A_130 = vector.shape_cast %transpose3A : vector<512x255xf32> to vector<1x512x255xf32>
    tpu.vector_store %arg3[%swap3A, %swap3A_126, %swap3A_127], %swap3A_130 {strides = array<i32>} : memref<1x512x255xf32, #tpu.memory_space<vmem>>, vector<1x512x255xf32>,
    return
  }
  func.func @transform_0(%arg0: i32, %arg1: i32) -> (i32, i32, i32) {
    %c0_i32 = arith.constant 0 : i32
    %c0_i32_0 = arith.constant 0 : i32
    return %arg0, %c0_i32, %arg1 : i32, i32, i32
  }
  func.func @transform_1(%arg0: i32, %arg1: i32) -> (i32, i32, i32) {
    %c0_i32 = arith.constant 0 : i32
    %c0_i32_0 = arith.constant 0 : i32
    return %arg0, %arg1, %c0_i32 : i32, i32, i32
  }
}

</mosaic_0001>

<sc_bundles>
// kernel: sparse-core-data-format-call.cloned.1.call-start
scs
called_computation_lowered:
.L_overlay_start_0:
0x0: {  	s2 =	sld [smem:$0x3FD9]  }
0x1: {  	s3 =	sld [smem:$0x3FFE];
	_ =	sdelay $0x1  }
0x2: {  	s1 =	srdreg.scid  }
0x3: {  	s0 =	sand.u32 $0x1, s1  }
0x4: {  	s18 =	sshll.u32 s0, $0xA;
	s2 =	sadd.s32 s3, s2  }
0x5: {  	s2 =	sadd.s32 s2, s18  }
0x6: {  	[smem:$0x3FC7] =	sst s2  }
0x7: {  	_ = 	snop  }
0x8: {  	s2 =	sld [smem:$0x3FD0];
	(tm) =	ssettm $0x1  }
0x9: {  	s19 =	sld [smem:$0x3FFB];
	_ =	sdelay $0x3  }
0xa: {  	_ =	strace s19  }
0xb: {  	s3 =	sld [smem:$0x3FFC];
	_ =	sdelay $0x3  }
0xc: {  	_ =	strace s3  }
0xd: {  	s3 =	sld [smem:$0x3FFD];
	_ =	sdelay $0x3  }
0xe: {  	_ =	strace s3  }
0xf: {  	_ =	strace $0x8FFFFFFF  }
0x10: {  	s20 =	sld [smem:$0x3FDB];
	_ =	sdelay $0x1  }
0x11: {  	s4 =	simm.s32 $_scs_section_size  }
0x12: {  	s5 =	simm.s32 $_size__tile_overlayer_lowered;
	s6 =	simm.s32 $_tile_overlayer_lowered  }
0x13: {  	s23 =	simm.s32 $0x1BFF;
	s22 =	sshll.u32 s6, $0x1;
	s3 =	sadd.s32 s4, s20  }
0x14: {  	s7 =	simm.s32 $0x0;
	s21 =	sshll.u32 s5, $0x1;
	s5 =	sadd.s32 s22, s3  }
0x15: {  	[timem:s7], [sflag:s23] =	dma.local [hbm:s5], s21  }
0x16: {  	_ =	swait.ge [sflag:s23], s21  }
0x17: {  	s4 =	ssub.s32 $0x0, s21;
	[sflag:s23] =	ssyncset.done $0x0  }
0x18: {  	[sflag:s23] =	ssyncadd.s32 s4;
	_ =	sdelay $0x1  }
0x19: {  	s24 =	simm.s32 $0x1B8B  }
0x1a: {  	_ =	swait.ge [sflag:s24], $0x1  }
0x1b: {  	[sflag:s24] =	ssyncset.done $0x0  }
0x1c: {  	s26 =	simm.s32 $0x1B8E;
	s25 =	sld [smem:$0x3FFE];
	[sflag:s24] =	ssyncadd.s32 $0xFFFFFFFF  }
0x1d: {  	s27 =	simm.s32 $execute0_lowered;
	[smem:$0x3FD2] =	sst s26  }
0x1e: {  	s5 =	sshll.u32 s27, $0x1;
	_ =	strace $0x80000046;
	[dreg:$0x1] =	wrdreg $0xFFFFFFFF  }
0x1f: {  	s28 =	simm.s32 $_size_execute0_lowered;
	s3 =	sadd.s32 s3, s5;
	[dreg:$0x0] =	wrdreg $0x0  }
0x20: {  	s5 =	sshll.u32 s28, $0x1;
	[dreg:$0x2] =	wrdreg s3  }
0x21: {  	[dreg:$0x3] =	wrdreg s5  }
0x22: {  	[dreg:$0x4] =	wrdreg $0xC0  }
0x23: {  	_ =	task [dreg:s7], $0x5FFFF  }
0x24: {  	[dreg:$0x1] =	wrdreg $0xFFFFFFFF  }
0x25: {  	[dreg:$0x0] =	wrdreg $0x60  }
0x26: {  	[dreg:$0x2] =	wrdreg s25  }
0x27: {  	[dreg:$0x3] =	wrdreg s2  }
0x28: {  	[dreg:$0x4] =	wrdreg $0x9  }
0x29: {  	_ =	task.clear_ibuf [dreg:s7], $0x5FFFF;
	_ =	strace $0x90000046  }
0x2a: {  	s29 =	simm.s32 $0x9;
	_ =	strace $0x80000048  }
0x2b: {  	_ =	swait.ge [sflag:s29], $0x1  }
0x2c: {  	[sflag:s29] =	ssyncadd.s32 $0xFFFFFFFF  }
0x2d: {  	_ =	strace $0x90000048  }
0x2e: {  	_ =	sfence  }
0x2f: {  	s30 =	sld [smem:$0x0];
	_ =	sdelay $0x2  }
0x30: {  	s31 =	sshll.u32 s1, $0xD;
	s1 =	sshrl.u32 s1, $0x2  }
0x31: {  	s3 =	sand.u32 $0x4000, s31;
	s1 =	sadd.s32 s1, s30  }
0x32: {  	s0 =	sor.u32 s3, s0;
	s1 =	sshll.u32 s1, $0x11  }
0x33: {  	s0 =	sor.u32 s1, s0  }
0x34: {  	s0 =	sadd.s32 $0x8F2B, s0  }
0x35: {  	[sflag:s0] =	ssyncadd.remote.s32 $0x1  }
0x36: {  	_ =	sfence.sel $0xFFFF  }
0x37: {  	[dreg:$0x0] =	wrdreg $0xFFFFFFFF;
	(pc) =	sbr.abs _section_cstart, $3  }
0x38: {  	[dreg:$0x1] =	wrdreg $0xFFFFFFFF  }
0x39: {  	_ =	task.clear_ibuf [dreg:s7], $0x2FFFF;
	_ =	strace $0x9FFFFFFF  }
0x3a: {  	(tm) =	ssettm $0x7FFFFFFF  }
0x3b: {  	_ =	shalt  }
tec
execute0_lowered:
.L_overlay_start_1:
0x0: {  	(tag) =	ssettag $0x1  }
0x1: {  	s0 =	rddreg [dreg:$0x0];
	_ =	strace $0x80000047  }
0x2: {  	s17 =	stileid.u32;
	s31 =	srdreg.scid;
	s4 =	simm.s32 $0x1  }
.Ltmp0:
0x3: {  	s2 =	simm.s32 $0x2;
	s12 =	simm.s32 $0x0;
	(pc) =	sbr.rel .LBB1_1-.Ltmp0, $4  }
0x4: {  	s13 =	simm.s32 $0x0;
	s8 =	simm.s32 $0x0;
	s10 =	simm.s32 $0x0  }
0x5: {  	s11 =	stileid.u32;
	s3 =	sadd.s32 $0x400, s0;
	s0 =	sshll.u32 s31, $0x7  }
0x6: {  	s7 =	simm.s32 $0x0;
	[sflag:s4] =	ssyncpa.u1 $0x0;
	s5 =	sand.u32 $0x80, s0  }
0x7: {  	s21 =	simm.s32 $0x0;
	[sflag:s2] =	ssyncpa.u1 $0x0;
	s9 =	smov.u32 s5  }
.LBB1_11:
0x8: {  	s0 =	sshrl.u32 s10, $0x3;
	s1 =	sshll.u32 s8, $0x3  }
0x9: {  	s2 =	sshll.u32 s10, $0x7;
	s6 =	sand.u32 $0x7F, s8;
	s0 =	smul.u32 $0x22000, s0  }
0xa: {  	p0 =	sgt.s32 s8, $0x4380;
	s1 =	sand.u32 $0xFFFFFC00, s1;
	s2 =	sand.u32 $0x380, s2  }
0xb: {  	s27 =	sor.u32 s6, s2;
	s2 =	smov.u32 s8;
	s0 =	sadd.s32 s0, s1  }
0xc: {  	s2 =	simm.s32 @!p0 $0x4380;
	s1 =	sor.u32 s0, s27  }
0xd: {  	s2 =	sadd.s32 s15, s2;
	s28 =	smulhi.u32 $0xF0F0F0F1, s1  }
0xe: {  	s29 =	rddreg [dreg:$0x1];
	s0 =	smulhi.u32 $0xF0F0F0F1, s0;
	s15 =	sadd.s32 $0xFFFFBC80, s2  }
0xf: {  	s2 =	ssub.s32 $0x4400, s2;
	p0 =	sgt.s32 s15, $0x7F;
	s6 =	sshrl.u32 s28, $0xE  }
0x10: {  	s0 =	sshrl.u32 s0, $0xE;
	s2 =	simm.s32 @p0 $0x0;
	s6 =	smul.u32 $0x4400, s6  }
0x11: {  	s30 =	sor.u32 $0x8000, s16;
	s0 =	sand.u32 $0xF, s0;
	s2 =	smul.u32 s2, s14  }
0x12: {  	s31 =	simm.s32 $0x44000;
	s0 =	smul.u32 $0x880, s0;
	s1 =	ssub.s32 s1, s6  }
0x13: {  	s2 =	smul.u32 $0x55, s2;
	s6 =	sshrl.u32 s1, $0x3;
	s1 =	sand.u32 $0x7, s1  }
0x14: {  	s17 =	stileid.u32;
	s6 =	sadd.s32 s29, s6;
	s1 =	sshll.u32 s1, $0x12  }
0x15: {  	s2 =	sand.u32 $0x3FFFFFFF, s2;
	s0 =	sadd.s32 s0, s6;
	s1 =	sor.u32 $0x80, s1  }
0x16: {  	[hbm4b:s0+s1] =	stream.strided.scatter [tilespmem:s30], [sflag:$0x2], s2, s31, s1, $0x20;
	[tilespmem:$0x10100] =	vst v63  }
.LBB1_12:
0x17: {  	p0 =	slt.u32 s7, $0x2  }
0x18: {  	s1 =	smov.u32 s13;
	s2 =	smov.u32 s12;
	p1 =	sgt.s32 @!p0 s13, $0xF  }
0x19: {  	s0 =	sshra.s32 @!p0 s13, $0x1F;
	p2 =	sgt.s32 @!p0 s12, $0x4380;
	s6 =	sshra.s32 @!p0 s12, $0x1F  }
0x1a: {  	p1 =	por !p1, p0;
	s0 =	sand.u32 @!p0 s0, s13;
	p2 =	por !p2, p0  }
0x1b: {  	s6 =	sand.u32 @!p0 s6, s12;
	s1 =	simm.s32 @p1 $0xF;
	s2 =	simm.s32 @p2 $0x4380  }
0x1c: {  	s0 =	ssub.s32 @!p0 s1, s0;
	s1 =	ssub.s32 @!p0 s2, s6  }
0x1d: {  	s2 =	sadd.s32 @!p0 $0xFFFFFFF1, s0;
	s0 =	ssub.s32 @!p0 $0x10, s0;
	s6 =	sadd.s32 @!p0 $0xFFFFBC80, s1  }
0x1e: {  	p1 =	sgt.s32 @!p0 s2, $0x0;
	s0 =	smul.u32 @!p0 $0x55, s0;
	p2 =	sgt.s32 @!p0 s6, $0x7F  }
0x1f: {  	s1 =	ssub.s32 @!p0 $0x4400, s1;
	p1 =	por !p1, p0;
	p2 =	por !p2, p0  }
0x20: {  	s0 =	simm.s32 @!p1 $0x0;
	s1 =	simm.s32 @!p2 $0x0  }
0x21: {  	s0 =	smul.u32 @!p0 s1, s0;
	s1 =	sadd.s32 $0x100, s9  }
0x22: {  	s14 =	smov.u32 s11;
	s6 =	sadd.s32 $0x10, s11;
	p1 =	sgt.s32 s1, $0x43AF  }
0x23: {  	s14 =	smov.u32 @p1 s6  }
0x24: {  	s7 =	sadd.s32 $0x1, s7;
	s1 =	smov.u32 @p1 s5;
	p1 =	sgt.s32 s14, $0xF  }
0x25: {  	s14 =	smov.u32 @p1 s17;
	p1 =	sne.s32 s7, $0x46  }
.Ltmp1:
0x26: {  	_ = 	snop;
	(pc) =	sbr.rel @!p1 .LBB1_13-.Ltmp1, $4  }
0x27: {  	s12 =	smov.u32 s8;
	s2 =	simm.s32 @!p0 $0x2;
	s0 =	sand.u32 @!p0 $0x3FFFFFFF, s0  }
0x28: {  	s13 =	smov.u32 s10;
	s8 =	smov.u32 s9;
	_ =	swait.ge @!p0 [sflag:s2], s0  }
0x29: {  	s10 =	smov.u32 s11;
	s0 =	ssub.s32 @!p0 $0x0, s0;
	[sflag:s2] =	ssyncset.done @!p0 $0x0  }
0x2a: {  	s9 =	smov.u32 s1;
	[sflag:s2] =	ssyncadd.s32 @!p0 s0;
	s11 =	smov.u32 s14  }
.LBB1_1:
0x2b: {  	p0 =	sgt.u32 s7, $0x43;
	s2 =	smov.u32 s11  }
0x2c: {  	s15 =	smov.u32 s9;
	p1 =	sgt.s32 @!p0 s11, $0xF;
	s0 =	sand.u32 @!p0 $0x1FFFFFF, s9  }
0x2d: {  	s14 =	sshra.s32 @!p0 s11, $0x1F;
	s16 =	sshra.s32 @!p0 s9, $0x1F;
	p1 =	por !p1, p0  }
0x2e: {  	s6 =	smulhi.u32 @!p0 $0x7906DB, s0;
	s2 =	simm.s32 @p1 $0xF;
	p1 =	sgt.s32 @!p0 s9, $0x4330  }
0x2f: {  	s14 =	sand.u32 @!p0 s14, s11;
	s16 =	sand.u32 @!p0 s16, s9;
	p1 =	por !p1, p0  }
0x30: {  	s2 =	ssub.s32 @!p0 s2, s14;
	s6 =	sshrl.u32 @!p0 s6, $0x5;
	s15 =	simm.s32 @p1 $0x4330  }
0x31: {  	s2 =	sadd.s32 @!p0 $0xFFFFFFF1, s2;
	s6 =	smul.u32 @!p0 $0x43B0, s6;
	s14 =	ssub.s32 @!p0 s15, s16  }
0x32: {  	p1 =	sgt.s32 @!p0 s2, $0x0;
	s2 =	sshll.u32 @!p0 s2, $0x7;
	s15 =	sadd.s32 @!p0 $0xFFFFBCD0, s14  }
0x33: {  	s16 =	smul.u32 @!p0 $0x43B00, s11;
	s14 =	ssub.s32 @!p0 $0x43B0, s14;
	p2 =	sgt.s32 @!p0 s15, $0x7F  }
0x34: {  	s2 =	ssub.s32 @!p0 $0x80, s2;
	p1 =	por !p1, p0;
	p2 =	por !p2, p0  }
0x35: {  	s15 =	sxor.u32 @!p0 $0xFFFFFFFF, s7;
	s2 =	simm.s32 @!p1 $0x0;
	s14 =	simm.s32 @!p2 $0x0  }
0x36: {  	s0 =	ssub.s32 @!p0 s0, s6;
	s6 =	sshll.u32 @!p0 s15, $0xE;
	s2 =	smul.u32 @!p0 s14, s2  }
0x37: {  	s0 =	sshll.u32 @!p0 s0, $0x4;
	s6 =	sand.u32 @!p0 $0x4000, s6;
	s14 =	sadd.s32 @!p0 s3, s16  }
0x38: {  	s0 =	sadd.s32 @!p0 s0, s14;
	s14 =	simm.s32 @!p0 $0x0;
	s2 =	sand.u32 @!p0 $0x3FFFFF80, s2  }
0x39: {  	[tilespmem:s6], [sflag:$0x1] =	stream.linear.gather @!p0 [hbm4b:s0+s14], s2, $0x38;
	[tilespmem:$0x10100] =	vst v63  }
0x3a: {  	p0 =	seq.s32 s7, $0x0  }
0x3b: {  	p1 =	seq.s32 @!p0 s7, $0x45  }
0x3c: {  	p0 =	por p0, p1  }
.Ltmp2:
0x3d: {  	_ = 	snop;
	(pc) =	sbr.rel @p0 .LBB1_12-.Ltmp2, $1  }
0x3e: {  	_ =	sdelay $0x3  }
0x3f: {  	p0 =	sgt.s32 s10, $0xF  }
0x40: {  	s0 =	smov.u32 s10;
	s2 =	sshra.s32 s10, $0x1F;
	s6 =	ssub.s32 $0x0, s8  }
0x41: {  	s14 =	sshra.s32 s8, $0x1F;
	s0 =	simm.s32 @!p0 $0xF;
	s2 =	sand.u32 s2, s10  }
0x42: {  	s16 =	smov.u32 s8;
	p0 =	sgt.s32 s8, $0x4330;
	s0 =	ssub.s32 s0, s2  }
0x43: {  	s15 =	sand.u32 s6, s14;
	s16 =	simm.s32 @!p0 $0x4330;
	s2 =	sadd.s32 $0xFFFFFFF1, s0  }
0x44: {  	s6 =	sadd.s32 s15, s16;
	s14 =	ssub.s32 $0x10, s0;
	p0 =	sgt.s32 s2, $0x0  }
0x45: {  	s30 =	sadd.s32 $0xFFFFBCD0, s6;
	s0 =	ssub.s32 $0x43B0, s6;
	s2 =	sadd.s32 $0x1, s10  }
0x46: {  	s6 =	sadd.s32 $0x80, s8;
	s14 =	simm.s32 @p0 $0x0;
	p0 =	slt.s32 s2, $0x10  }
0x47: {  	s2 =	simm.s32 @!p0 $0x10;
	p0 =	slt.s32 s6, $0x43B0  }
0x48: {  	p1 =	sgt.s32 s30, $0x7F;
	s17 =	ssub.s32 s2, s10;
	s6 =	simm.s32 @!p0 $0x43B0  }
0x49: {  	s0 =	simm.s32 @p1 $0x0;
	s18 =	ssub.s32 s6, s8;
	p0 =	slt.s32 s17, $0x1  }
0x4a: {  	s0 =	smul.u32 s0, s14;
	p1 =	slt.s32 @!p0 s18, $0x1  }
0x4b: {  	p1 =	por p0, p1  }
.Ltmp3:
0x4c: {  	s0 =	sshll.u32 s0, $0x7;
	(pc) =	sbr.rel @p1 .LBB1_11-.Ltmp3, $4  }
0x4d: {  	s31 =	sand.u32 $0x3FFFFF80, s0  }
0x4e: {  	_ =	swait.ge [sflag:s4], s31  }
0x4f: {  	s0 =	sand.u32 $0x1, s7;
	s2 =	ssub.s32 $0x0, s31;
	[sflag:s4] =	ssyncset.done $0x0  }
0x50: {  	s16 =	smul.u32 $0x4080, s0;
	[sflag:s4] =	ssyncadd.s32 s2  }
0x51: {  	_ = 	snop  }
0x52: {  	s19 =	sshll.u32 @!p0 s0, $0xE;
	s22 =	simm.s32 $0x0;
	s20 =	sor.u32 @!p0 $0x8000, s16  }
.LBB1_4:
0x53: {  	s0 =	sshll.u32 s22, $0x10  }
0x54: {  	s0 =	sshra.s32 s0, $0x2  }
0x55: {  	s0 =	sadd.s32 s0, s19  }
0x56: {  	v0 =	vmov s0;
	_ =	sdelay $0x2  }
0x57: {  	s30 =	sand.u32 $0x7, s22  }
0x58: {  	s31 =	sand.u32 $0x3F80, s21;
	p1 =	sne.s32 s18, $0x1;
	s0 =	smul.u32 $0x204, s30  }
.Ltmp4:
0x59: {  	v11 =	vld.idx.msk [tilespmem:v0+s31+$0x0 ss:$0x1], $0xffff;
	(pc) =	sbr.rel @!p1 .LBB1_5-.Ltmp4, $4  }
0x5a: {  	s2 =	simm.s32 $0x1;
	s0 =	sshrl.u32 s0, $0x2;
	v8 =	vld.idx.msk [tilespmem:v0+s31+$0x10 ss:$0x1], $0xffff  }
0x5b: {  	s6 =	simm.s32 $0x80;
	p0 =	por $0x0, $0x0;
	s28 =	sadd.s32 s0, s20;
	v9 =	vld.idx.msk [tilespmem:v0+s31+$0x20 ss:$0x1], $0xffff  }
0x5c: {  	s0 =	sand.u32 $0x7F, s21;
	s26 =	sadd.s32 $0x810, s28;
	s27 =	sadd.s32 $0x1020, s28;
	v10 =	vld.idx.msk [tilespmem:v0+s31+$0x30 ss:$0x1], $0xffff  }
0x5d: {  	s25 =	sadd.s32 $0x1830, s28;
	s24 =	sadd.s32 $0x2040, s28;
	s23 =	sadd.s32 $0x2850, s28;
	v7 =	vld.idx.msk [tilespmem:v0+s31+$0x40 ss:$0x1], $0xffff  }
0x5e: {  	_ =	sdelay $0x3  }
0x5f: {  	s30 =	sand.u32 $0x3F80, s6;
	s1 =	sadd.s32 s0, s28;
	v1 =	vld.idx.msk [tilespmem:v0+s31+$0x50 ss:$0x1], $0xffff;
	p1 =	sne.s32 s18, $0x2  }
.Ltmp5:
0x60: {  	v2 =	vld.idx.msk [tilespmem:v0+s30+$0x0 ss:$0x1], $0xffff;
	[tilespmem:s1+$0x0 ss:$0x81] =	vst.msk $0xffff, v11;
	s1 =	sadd.s32 s0, s26;
	(pc) =	sbr.rel @!p1 .LBB1_7-.Ltmp5, $4  }
0x61: {  	v3 =	vld.idx.msk [tilespmem:v0+s30+$0x10 ss:$0x1], $0xffff;
	[tilespmem:s1+$0x0 ss:$0x81] =	vst.msk $0xffff, v8;
	s1 =	sadd.s32 s0, s27  }
0x62: {  	v4 =	vld.idx.msk [tilespmem:v0+s30+$0x20 ss:$0x1], $0xffff;
	[tilespmem:s1+$0x0 ss:$0x81] =	vst.msk $0xffff, v9;
	s1 =	sadd.s32 s0, s25  }
0x63: {  	s31 =	simm.s32 $0x2;
	s29 =	sand.u32 $0x7F, s2;
	v5 =	vld.idx.msk [tilespmem:v0+s30+$0x30 ss:$0x1], $0xffff;
	[tilespmem:s1+$0x0 ss:$0x81] =	vst.msk $0xffff, v10;
	s1 =	sadd.s32 s0, s24  }
0x64: {  	s2 =	simm.s32 $0x100;
	s6 =	sadd.s32 s0, s23;
	p0 =	por $0x1, $0x1;
	v6 =	vld.idx.msk [tilespmem:v0+s30+$0x40 ss:$0x1], $0xffff;
	[tilespmem:s1+$0x0 ss:$0x81] =	vst.msk $0xffff, v7  }
.LBB1_8:
0x65: {  	s1 =	smov.u32 s31;
	s31 =	sadd.s32 $0x1, s31  }
0x66: {  	s0 =	sadd.s32 s29, s28;
	[tilespmem:s6+$0x0 ss:$0x81] =	vst.msk $0xffff, v1;
	v1 =	vld.idx.msk [tilespmem:v0+s30+$0x50 ss:$0x1], $0xffff;
	s30 =	sand.u32 $0x3F80, s2;
	p1 =	sne.s32 s18, s31  }
.Ltmp6:
0x67: {  	[tilespmem:s0+$0x0 ss:$0x81] =	vst.msk $0xffff, v2;
	v2 =	vld.idx.msk [tilespmem:v0+s30+$0x0 ss:$0x1], $0xffff;
	s0 =	sadd.s32 s29, s26;
	(pc) =	sbr.rel @p1 .LBB1_8-.Ltmp6, $4  }
0x68: {  	[tilespmem:s0+$0x0 ss:$0x81] =	vst.msk $0xffff, v3;
	v3 =	vld.idx.msk [tilespmem:v0+s30+$0x10 ss:$0x1], $0xffff;
	s0 =	sadd.s32 s29, s27  }
0x69: {  	[tilespmem:s0+$0x0 ss:$0x81] =	vst.msk $0xffff, v4;
	v4 =	vld.idx.msk [tilespmem:v0+s30+$0x20 ss:$0x1], $0xffff;
	s0 =	sadd.s32 s29, s25  }
0x6a: {  	[tilespmem:s0+$0x0 ss:$0x81] =	vst.msk $0xffff, v5;
	v5 =	vld.idx.msk [tilespmem:v0+s30+$0x30 ss:$0x1], $0xffff;
	s0 =	sadd.s32 s29, s24  }
0x6b: {  	s2 =	sadd.s32 $0x80, s2;
	s6 =	sadd.s32 s29, s23;
	s29 =	sand.u32 $0x7F, s1;
	[tilespmem:s0+$0x0 ss:$0x81] =	vst.msk $0xffff, v6;
	v6 =	vld.idx.msk [tilespmem:v0+s30+$0x40 ss:$0x1], $0xffff  }
0x6c: {  	_ =	sdelay $0x3  }
0x6d: {  	s0 =	smov.u32 s29;
	s31 =	smov.u32 s30;
	v11 =	vmovc v2;
	v8 =	vmovc v3;
	v9 =	vmov v4;
	v10 =	vmov v5;
	v7 =	vmov v6  }
.LBB1_10:
0x6e: {  	_ =	sdelay $0x2  }
0x6f: {  	s1 =	sadd.s32 s0, s28;
	[tilespmem:s6+$0x0 ss:$0x81] =	vst.msk @p0 $0xffff, v1;
	s22 =	sadd.s32 $0x1, s22  }
0x70: {  	v0 =	vld.idx.msk [tilespmem:v0+s31+$0x50 ss:$0x1], $0xffff;
	s26 =	sadd.s32 s0, s26;
	[tilespmem:s1+$0x0 ss:$0x81] =	vst.msk $0xffff, v11;
	p0 =	sne.s32 s22, s17  }
.Ltmp7:
0x71: {  	s28 =	sadd.s32 s0, s27;
	[tilespmem:s26+$0x0 ss:$0x81] =	vst.msk $0xffff, v8;
	(pc) =	sbr.rel @p0 .LBB1_4-.Ltmp7, $4  }
.Ltmp8:
0x72: {  	s29 =	sadd.s32 s0, s25;
	[tilespmem:s28+$0x0 ss:$0x81] =	vst.msk $0xffff, v9;
	(pc) =	sbr.rel @!p0 .LBB1_11-.Ltmp8, $4  }
0x73: {  	s30 =	sadd.s32 s0, s24;
	[tilespmem:s29+$0x0 ss:$0x81] =	vst.msk $0xffff, v10  }
0x74: {  	s31 =	sadd.s32 s0, s23;
	[tilespmem:s30+$0x0 ss:$0x81] =	vst.msk $0xffff, v7  }
0x75: {  	[tilespmem:s31+$0x0 ss:$0x81] =	vst.msk $0xffff, v0  }
0x76: {  	_ = 	snop  }
.LBB1_5:
.Ltmp9:
0x77: {  	(pc) =	sbr.rel .LBB1_10-.Ltmp9, $2  }
0x78: {  	_ =	sdelay $0x2  }
0x79: {  	_ = 	snop  }
.LBB1_7:
.Ltmp10:
0x7a: {  	_ = 	snop;
	(pc) =	sbr.rel .LBB1_10-.Ltmp10, $2  }
0x7b: {  	_ =	sdelay $0x2  }
0x7c: {  	s0 =	smov.u32 s29;
	s31 =	smov.u32 s30;
	v11 =	vmovc v2;
	v8 =	vmovc v3;
	v9 =	vmov v4;
	v10 =	vmov v5;
	v7 =	vmov v6  }
.LBB1_13:
0x7d: {  	_ =	sfence.sel $0x180000  }
0x7e: {  	s0 =	simm.s32 $0x1;
	[bflag:$0x0] =	sbarrier.arrive $0xFFFF  }
0x7f: {  	s31 =	simm.s32 $0x2;
	[sflag:s0] =	ssyncpa.u1 $0x1  }
0x80: {  	[sflag:s31] =	ssyncpa.u1 $0x1  }
0x81: {  	_ =	strace $0x90000047  }
0x82: {  	[bflag:$0x2] =	sbarrier.arrive $0xFFFF  }
0x83: {  	p0 =	sne.s32 s17, $0x0;
	s0 =	rddreg [dreg:$0x2]  }
0x84: {  	s0 =	sadd.s32 @!p0 $0x100000, s0  }
0x85: {  	[sflag:s0] =	ssyncadd.tile.s32 @!p0 $0x1;
	_ =	shalt  }
.Lfunc_end1:
_tile_overlayer_lowered:
.L_overlay_start_2:
0x86: {  	(tag) =	ssettag $0x2  }
0x87: {  	s0 =	rddreg [dreg:$0x0];
	s2 =	stileid.u32  }
0x88: {  	s1 =	rddreg [dreg:$0x1];
	p0 =	sne.s32 s2, $0x0  }
0x89: {  	s3 =	rddreg [dreg:$0x2];
	[bflag:$0x3] =	sbarrier.arrive $0xFFFF;
	s2 =	simm.s32 @!p0 $0x1C01  }
0x8a: {  	[timem:s3], [sflag:s2] =	dma.local @!p0 [hbm:s0], s1  }
0x8b: {  	s0 =	simm.s32 @!p0 $0x1  }
0x8c: {  	_ =	swait.ge @!p0 [sflag:s0], s1  }
0x8d: {  	s1 =	ssub.s32 @!p0 $0x0, s1;
	[sflag:s0] =	ssyncset.done @!p0 $0x0  }
0x8e: {  	[sflag:s0] =	ssyncadd.s32 @!p0 s1  }
0x8f: {  	[bflag:$0x3] =	sbarrier.arrive $0xFFFF  }
0x90: {  	_ =	shalt  }

</sc_bundles>
